<compile_context>
chip_gen: v7x
topology: tpu7x:2x2x1
jax: 0.10.2.dev20260603
libtpu: 0.0.44.dev20260713+nightly
codegen_flags: <defaults>
</compile_context>

<pallas_src>
import functools

import jax
import jax.numpy as jnp
from jax import lax
from jax.experimental import pallas as pl
from jax.experimental.pallas import tpu as pltpu
from jax.experimental.pallas import tpu_sc as plsc

N = 10000
E = 160000
D = 256
BN_EPS = 1e-5

NC = 2
NS = 16
L = 16
NW = NC * NS

RPT = 320
DUMMY = RPT
ACC1 = (RPT + 1) * D

CH = 8000
NCHUNK = E // CH
LCAPL = CH + 48
TRASH = CH + 32

KCH = 2048
G = 128
GPC = KCH // G
CAP = E + CH + KCH

_SC_PARAMS = pltpu.CompilerParams(needs_layout_passes=False)


def _mesh():
  return plsc.VectorSubcoreMesh(core_axis_name="c", subcore_axis_name="s",
                                num_cores=NC, num_subcores=NS)


def _wid():
  return lax.axis_index("c") * NS + lax.axis_index("s")


def _partition_body(src_hbm, dst_hbm, sl_h, dl_h, meta_h,
                    srcc, dstc, sloc, dloc, metab, sem):
  w = _wid()
  lo = w * RPT

  lov = jnp.broadcast_to(lo, (L,))
  hiv = lov + jnp.full((L,), RPT, jnp.int32)
  trashv = jnp.full((L,), TRASH, jnp.int32)
  one = jnp.full((L,), 1, jnp.int32)
  zero_i = jnp.full((L,), 0, jnp.int32)
  iotav = lax.iota(jnp.int32, L)
  pad_d = jnp.full((L,), DUMMY, jnp.int32)
  hbase = w * CAP

  def _chunk(k, off_h):
    pltpu.sync_copy(src_hbm.at[pl.ds(k * CH, CH)], srcc)
    pltpu.sync_copy(dst_hbm.at[pl.ds(k * CH, CH)], dstc)

    def _filt(i, off):
      dv = dstc[pl.ds(i * L, L)]
      sv = srcc[pl.ds(i * L, L)]
      m = (dv >= lov) & (dv < hiv)
      mi = jnp.where(m, one, zero_i)
      excl = plsc.cumsum(mi) - mi
      offv = jnp.broadcast_to(off, (L,))
      pos = jnp.where(m, offv + excl, trashv)
      plsc.store_scatter(sloc, [pos], sv)
      plsc.store_scatter(dloc, [pos], dv - lov)
      return off + jnp.sum(mi)
    off = lax.fori_loop(0, CH // L, _filt, jnp.int32(0))

    sloc[pl.ds(off, L)] = iotav + (k % 64) * L
    dloc[pl.ds(off, L)] = pad_d
    offpad = ((off + 7) // 8) * 8

    ho = pl.multiple_of(hbase + off_h, 8)
    pltpu.sync_copy(sloc.at[pl.ds(0, CH)], sl_h.at[pl.ds(ho, CH)])
    pltpu.sync_copy(dloc.at[pl.ds(0, CH)], dl_h.at[pl.ds(ho, CH)])
    return off_h + offpad

  off_h = lax.fori_loop(0, NCHUNK, _chunk, jnp.int32(0))

  def _fill(i, _):
    srcc[pl.ds(i * L, L)] = iotav + i * L
    dstc[pl.ds(i * L, L)] = pad_d
    return 0
  lax.fori_loop(0, G // L, _fill, 0)
  ho = pl.multiple_of(hbase + off_h, 8)
  pltpu.sync_copy(srcc.at[pl.ds(0, G)], sl_h.at[pl.ds(ho, G)])
  pltpu.sync_copy(dstc.at[pl.ds(0, G)], dl_h.at[pl.ds(ho, G)])

  ng = (off_h + G - 1) // G
  metab[pl.ds(0, L)] = jnp.broadcast_to(ng, (L,))
  pltpu.sync_copy(metab, meta_h.at[pl.ds(pl.multiple_of(w * L, 8), L)])


@jax.jit
def _partition(src, dst):
  f = pl.kernel(
      _partition_body,
      out_type=(
          jax.ShapeDtypeStruct((NW * CAP,), jnp.int32),
          jax.ShapeDtypeStruct((NW * CAP,), jnp.int32),
          jax.ShapeDtypeStruct((NW * L,), jnp.int32),
      ),
      mesh=_mesh(),
      compiler_params=_SC_PARAMS,
      scratch_types=[
          pltpu.VMEM((CH,), jnp.int32),
          pltpu.VMEM((CH,), jnp.int32),
          pltpu.VMEM((LCAPL,), jnp.int32),
          pltpu.VMEM((LCAPL,), jnp.int32),
          pltpu.VMEM((L,), jnp.int32),
          pltpu.SemaphoreType.DMA,
      ],
  )
  return f(src, dst)


def _segsum_body(x_hbm, sl_h, dl_h, meta_h, agg_h,
                 acc1, silist, dlist, rows0, metab, sem0):
  w = _wid()
  lo = w * RPT
  hbase = w * CAP

  zf = jnp.zeros((L,), jnp.float32)
  def _z(i, _):
    acc1[pl.ds(i * L, L)] = zf
    return 0
  lax.fori_loop(0, ACC1 // L, _z, 0)

  pltpu.sync_copy(meta_h.at[pl.ds(pl.multiple_of(w * L, 8), L)], metab)
  ng = metab[pl.ds(0, L)][0]
  nch = (ng + GPC - 1) // GPC

  def _add_group(rows, e0):
    @plsc.parallel_loop(0, G // L, unroll=2)
    def _q(q):
      dv = dlist[pl.ds(e0 + q * L, L)]
      for ll in range(L):
        r = q * L + ll
        base = dv[ll] * D
        for j in range(D // L):
          plsc.addupdate(acc1.at[pl.ds(base + j * L, L)],
                         rows[r, pl.ds(j * L, L)])

  def _chunk(kc, _):
    cbase = pl.multiple_of(hbase + kc * KCH, 8)
    pltpu.sync_copy(sl_h.at[pl.ds(cbase, KCH)], silist)
    pltpu.sync_copy(dl_h.at[pl.ds(cbase, KCH)], dlist.at[pl.ds(0, KCH)])

    def _grp(g, _):
      pltpu.async_copy(x_hbm.at[silist.at[pl.ds(g * G, G)]], rows0,
                       sem0).wait()
      _add_group(rows0, g * G)
      return 0
    lax.fori_loop(0, jnp.minimum(GPC, ng - kc * GPC), _grp, 0)
    return 0

  lax.fori_loop(0, nch, _chunk, 0)

  lod = pl.multiple_of(lo * D, 8)

  @pl.when(w < NW - 1)
  def _full():
    pltpu.sync_copy(acc1.at[pl.ds(0, RPT * D)],
                    agg_h.at[pl.ds(lod, RPT * D)])

  @pl.when(w == NW - 1)
  def _last():
    pltpu.sync_copy(acc1.at[pl.ds(0, (N - (NW - 1) * RPT) * D)],
                    agg_h.at[pl.ds(lod, (N - (NW - 1) * RPT) * D)])


@jax.jit
def _segsum(x, sl_h, dl_h, meta_h):
  f = pl.kernel(
      _segsum_body,
      out_type=jax.ShapeDtypeStruct((N * D,), jnp.float32),
      mesh=_mesh(),
      compiler_params=_SC_PARAMS,
      scratch_types=[
          pltpu.VMEM((ACC1,), jnp.float32),
          pltpu.VMEM((KCH,), jnp.int32),
          pltpu.VMEM((KCH + L,), jnp.int32),
          pltpu.VMEM((G, D), jnp.float32),
          pltpu.VMEM((L,), jnp.int32),
          pltpu.SemaphoreType.DMA,
      ],
  )
  return f(x, sl_h, dl_h, meta_h)


BR = 2000
NB = N // BR


def _mlp_body(x_ref, agg_ref, wa_ref, ba_ref, ga_ref, be_ref, wb_ref, bb_ref,
              out_ref, h1_buf, s1, s2):
  p = pl.program_id(0)
  i = pl.program_id(1)

  @pl.when(p == 0)
  def _pass0():
    @pl.when(i == 0)
    def _init():
      s1[...] = jnp.zeros_like(s1)
      s2[...] = jnp.zeros_like(s2)
    h0 = x_ref[...] + agg_ref[...]
    h1 = jnp.dot(h0, wa_ref[...], preferred_element_type=jnp.float32)
    h1 = h1 + ba_ref[...]
    h1_buf[pl.ds(i * BR, BR), :] = h1
    s1[...] += jnp.sum(h1, axis=0, keepdims=True)
    s2[...] += jnp.sum(h1 * h1, axis=0, keepdims=True)

  @pl.when(p == 1)
  def _pass1():
    mean = s1[...] * (1.0 / N)
    var = s2[...] * (1.0 / N) - mean * mean
    h1 = h1_buf[pl.ds(i * BR, BR), :]
    hn = ga_ref[...] * (h1 - mean) * lax.rsqrt(var + BN_EPS) + be_ref[...]
    hn = jnp.maximum(hn, 0.0)
    out = jnp.dot(hn, wb_ref[...], preferred_element_type=jnp.float32)
    out_ref[...] = jnp.maximum(out + bb_ref[...], 0.0)


@functools.partial(jax.jit, static_argnames=("interpret",))
def _mlp(x, agg, wa, ba, ga, be, wb, bb, interpret=False):
  row_spec = pl.BlockSpec((BR, D), lambda p, i: (i, 0))
  mat_spec = pl.BlockSpec((D, D), lambda p, i: (0, 0))
  vec_spec = pl.BlockSpec((1, D), lambda p, i: (0, 0))
  return pl.pallas_call(
      _mlp_body,
      grid=(2, NB),
      in_specs=[row_spec, row_spec, mat_spec, vec_spec, vec_spec, vec_spec,
                mat_spec, vec_spec],
      out_specs=row_spec,
      out_shape=jax.ShapeDtypeStruct((N, D), jnp.float32),
      scratch_shapes=[
          pltpu.VMEM((N, D), jnp.float32),
          pltpu.VMEM((1, D), jnp.float32),
          pltpu.VMEM((1, D), jnp.float32),
      ],
      interpret=interpret,
  )(x, agg, wa, ba.reshape(1, D), ga.reshape(1, D), be.reshape(1, D),
    wb, bb.reshape(1, D))


def kernel(x, edge_index,
           W0a, b0a, gamma0, beta0, W0b, b0b,
           W1a, b1a, gamma1, beta1, W1b, b1b,
           W2a, b2a, gamma2, beta2, W2b, b2b):
  src = edge_index[0]
  dst = edge_index[1]
  sl_h, dl_h, meta_h = _partition(src, dst)
  h = x
  for (wa, ba, ga, be, wb, bb) in (
      (W0a, b0a, gamma0, beta0, W0b, b0b),
      (W1a, b1a, gamma1, beta1, W1b, b1b),
      (W2a, b2a, gamma2, beta2, W2b, b2b)):
    agg = _segsum(h, sl_h, dl_h, meta_h).reshape(N, D)
    h = _mlp(h, agg, wa, ba, ga, be, wb, bb)
  return h

# --- scband reference (transcript-rebuilt; emitter-appended) ---
"""Pipeline reference for scband-gin-30305289241049 (READ-ONLY COPY).

The authoritative reference and input builder live on the scoring server;
editing this copy changes nothing except your own understanding.
"""

import jax, jax.numpy as jnp
import numpy as np

N = 10000
E = 160000
D = 256
BN_EPS = 1e-5


def setup_inputs(seed: int = 0) -> dict:
    key = jax.random.key(seed)
    ks = jax.random.split(key, 24)
    inp = {}
    inp["x"] = jax.random.normal(ks[0], (N, D), dtype=jnp.float32)
    inp["edge_index"] = jax.random.randint(ks[1], (2, E), 0, N, dtype=jnp.int32)
    scale = 1.0 / np.sqrt(D)
    k_idx = 2
    for i in range(3):
        inp[f"W{i}a"] = jax.random.normal(ks[k_idx], (D, D), dtype=jnp.float32) * scale; k_idx += 1
        inp[f"b{i}a"] = jnp.zeros((D,), dtype=jnp.float32)
        inp[f"gamma{i}"] = jnp.ones((D,), dtype=jnp.float32)
        inp[f"beta{i}"] = jnp.zeros((D,), dtype=jnp.float32)
        inp[f"W{i}b"] = jax.random.normal(ks[k_idx], (D, D), dtype=jnp.float32) * scale; k_idx += 1
        inp[f"b{i}b"] = jnp.zeros((D,), dtype=jnp.float32)
    return inp


def gin_layer(x, Wa, ba, gamma, beta, Wb, bb, src, dst):
    # GINConv with eps=0: h = MLP((1+eps)*x + sum_{j in N(i)} x_j)
    msgs = jnp.take(x, src, axis=0)
    agg = jax.ops.segment_sum(msgs, dst, num_segments=N)
    h = x + agg
    # Linear 1
    h = h @ Wa + ba
    # BatchNorm1d (training mode: batch statistics, biased variance)
    mean = jnp.mean(h, axis=0)
    var = jnp.var(h, axis=0)
    h = gamma * (h - mean) / jnp.sqrt(var + BN_EPS) + beta
    h = jax.nn.relu(h)
    # Linear 2
    h = h @ Wb + bb
    h = jax.nn.relu(h)
    return h


def reference(x, edge_index,
              W0a, b0a, gamma0, beta0, W0b, b0b,
              W1a, b1a, gamma1, beta1, W1b, b1b,
              W2a, b2a, gamma2, beta2, W2b, b2b):
    src = edge_index[0]
    dst = edge_index[1]
    h = gin_layer(x, W0a, b0a, gamma0, beta0, W0b, b0b, src, dst)
    h = gin_layer(h, W1a, b1a, gamma1, beta1, W1b, b1b, src, dst)
    h = gin_layer(h, W2a, b2a, gamma2, beta2, W2b, b2b, src, dst)
    return h

if __name__ == "__main__":
    import jax
    _d = setup_inputs()
    print(jax.jit(kernel)(*tuple(_d.values())))

</pallas_src>

<mosaic_0001>
#map = affine_map<(d0, d1) -> (0)>
module attributes {stable_mosaic.version = 14 : i64} {
  func.func @_partition_body(%arg0: i32, %arg1: i32, %arg2: memref<160000xi32, #tpu.memory_space<hbm>>, %arg3: memref<160000xi32, #tpu.memory_space<hbm>>, %arg4: memref<5441536xi32, #tpu.memory_space<hbm>>, %arg5: memref<5441536xi32, #tpu.memory_space<hbm>>, %arg6: memref<512xi32, #tpu.memory_space<hbm>>, %arg7: memref<8000xi32, #tpu.memory_space<vmem>>, %arg8: memref<8000xi32, #tpu.memory_space<vmem>>, %arg9: memref<8048xi32, #tpu.memory_space<vmem>>, %arg10: memref<8048xi32, #tpu.memory_space<vmem>>, %arg11: memref<16xi32, #tpu.memory_space<vmem>>, %arg12: memref<!tpu.dma_semaphore, #tpu.memory_space<semaphore_mem>>) attributes {dimension_semantics = [#tpu.dimension_semantics<core_parallel>, #tpu.dimension_semantics<subcore_parallel>], iteration_bounds = array<i64: 2, 16>, scalar_prefetch = 0 : i64, scratch_operands = 6 : i64, tpu.core_type = #tpu.core_type<sc_vector_subcore>, window_params = [{transform_indices = #map}, {transform_indices = #map}, {transform_indices = #map}, {transform_indices = #map}, {transform_indices = #map}]} {
    %mul3A = arith.constant 16 : i32
    %mul3A_0 = arith.muli %arg0, %mul3A : i32
    %add3A = arith.addi %mul3A_0, %arg1 : i32
    %mul3A_1 = arith.constant 320 : i32
    %mul3A_2 = arith.muli %add3A, %mul3A_1 : i32
    %broadcast_in_dim3A = vector.broadcast %mul3A_2 : i32 to vector<16xi32>
    %broadcast_in_dim3A_3 = arith.constant 320 : i32
    %broadcast_in_dim3A_4 = vector.broadcast %broadcast_in_dim3A_3 : i32 to vector<16xi32>
    %add3A_5 = arith.addi %broadcast_in_dim3A, %broadcast_in_dim3A_4 : vector<16xi32>
    %broadcast_in_dim3A_6 = arith.constant 8032 : i32
    %broadcast_in_dim3A_7 = vector.broadcast %broadcast_in_dim3A_6 : i32 to vector<16xi32>
    %broadcast_in_dim3A_8 = arith.constant 1 : i32
    %broadcast_in_dim3A_9 = vector.broadcast %broadcast_in_dim3A_8 : i32 to vector<16xi32>
    %broadcast_in_dim3A_10 = arith.constant 0 : i32
    %broadcast_in_dim3A_11 = vector.broadcast %broadcast_in_dim3A_10 : i32 to vector<16xi32>
    %iota3A = tpu.iota {dimensions = array<i32: 0>} : vector<16xi32>
    %broadcast_in_dim3A_12 = arith.constant 320 : i32
    %broadcast_in_dim3A_13 = vector.broadcast %broadcast_in_dim3A_12 : i32 to vector<16xi32>
    %mul3A_14 = arith.constant 170048 : i32
    %mul3A_15 = arith.muli %add3A, %mul3A_14 : i32
    %scan3A = arith.constant 0 : i32
    %scan3A_16 = arith.constant 0 : i32
    %scan3A_17 = arith.constant 20 : i32
    %scan3A_18 = arith.addi %scan3A_16, %scan3A_17 : i32
    %scan3A_19 = arith.constant 1 : i32
    %scan3A_20 = scf.for %scan3A_55 = %scan3A_16 to %scan3A_18 step %scan3A_19 iter_args(%scan3A_56 = %scan3A) -> (i32)  : i32 {
      %mul3A_57 = arith.constant 8000 : i32
      %mul3A_58 = arith.muli %scan3A_55, %mul3A_57 : i32
      "tpu.region"() ({
        %run_scoped3A = tpu.sem_alloc : memref<!tpu.dma_semaphore, #tpu.memory_space<semaphore_mem>>
        %dma_start3A = tpu.memref_slice %arg2[%mul3A_58] : memref<160000xi32, #tpu.memory_space<hbm>> -> memref<8000xi32, #tpu.memory_space<hbm>>
        %dma_start3A_121 = tpu.memref_slice %arg2[%mul3A_58] : memref<160000xi32, #tpu.memory_space<hbm>> -> memref<8000xi32, #tpu.memory_space<hbm>>
        tpu.enqueue_dma source(%dma_start3A_121 : memref<8000xi32, #tpu.memory_space<hbm>>) target(%arg7 : memref<8000xi32, #tpu.memory_space<vmem>>) target_semaphore(%run_scoped3A : memref<!tpu.dma_semaphore, #tpu.memory_space<semaphore_mem>>)
        %dma_wait3A = tpu.memref_slice %arg2[%mul3A_58] : memref<160000xi32, #tpu.memory_space<hbm>> -> memref<8000xi32, #tpu.memory_space<hbm>>
        %dma_wait3A_122 = tpu.memref_slice %arg2[%mul3A_58] : memref<160000xi32, #tpu.memory_space<hbm>> -> memref<8000xi32, #tpu.memory_space<hbm>>
        tpu.wait_dma2 semaphore(%run_scoped3A : memref<!tpu.dma_semaphore, #tpu.memory_space<semaphore_mem>>) src(%dma_wait3A_122 : memref<8000xi32, #tpu.memory_space<hbm>>) dst(%arg7 : memref<8000xi32, #tpu.memory_space<vmem>>)
        tpu.yield
      }) : () -> ()
      %mul3A_59 = arith.constant 8000 : i32
      %mul3A_60 = arith.muli %scan3A_55, %mul3A_59 : i32
      "tpu.region"() ({
        %run_scoped3A = tpu.sem_alloc : memref<!tpu.dma_semaphore, #tpu.memory_space<semaphore_mem>>
        %dma_start3A = tpu.memref_slice %arg3[%mul3A_60] : memref<160000xi32, #tpu.memory_space<hbm>> -> memref<8000xi32, #tpu.memory_space<hbm>>
        %dma_start3A_121 = tpu.memref_slice %arg3[%mul3A_60] : memref<160000xi32, #tpu.memory_space<hbm>> -> memref<8000xi32, #tpu.memory_space<hbm>>
        tpu.enqueue_dma source(%dma_start3A_121 : memref<8000xi32, #tpu.memory_space<hbm>>) target(%arg8 : memref<8000xi32, #tpu.memory_space<vmem>>) target_semaphore(%run_scoped3A : memref<!tpu.dma_semaphore, #tpu.memory_space<semaphore_mem>>)
        %dma_wait3A = tpu.memref_slice %arg3[%mul3A_60] : memref<160000xi32, #tpu.memory_space<hbm>> -> memref<8000xi32, #tpu.memory_space<hbm>>
        %dma_wait3A_122 = tpu.memref_slice %arg3[%mul3A_60] : memref<160000xi32, #tpu.memory_space<hbm>> -> memref<8000xi32, #tpu.memory_space<hbm>>
        tpu.wait_dma2 semaphore(%run_scoped3A : memref<!tpu.dma_semaphore, #tpu.memory_space<semaphore_mem>>) src(%dma_wait3A_122 : memref<8000xi32, #tpu.memory_space<hbm>>) dst(%arg8 : memref<8000xi32, #tpu.memory_space<vmem>>)
        tpu.yield
      }) : () -> ()
      %scan3A_61 = arith.constant 0 : i32
      %scan3A_62 = arith.constant 0 : i32
      %scan3A_63 = arith.constant 500 : i32
      %scan3A_64 = arith.addi %scan3A_62, %scan3A_63 : i32
      %scan3A_65 = arith.constant 1 : i32
      %scan3A_66 = scf.for %scan3A_121 = %scan3A_62 to %scan3A_64 step %scan3A_65 iter_args(%scan3A_122 = %scan3A_61) -> (i32)  : i32 {
        %mul3A_123 = arith.constant 16 : i32
        %mul3A_124 = arith.muli %scan3A_121, %mul3A_123 : i32
        %get3A = arith.index_cast %mul3A_124 : i32 to index
        %get3A_125 = tpu.vector_load %arg8[%get3A] {strides = array<i32>} : memref<8000xi32, #tpu.memory_space<vmem>>, vector<16xi32>,
        %mul3A_126 = arith.constant 16 : i32
        %mul3A_127 = arith.muli %scan3A_121, %mul3A_126 : i32
        %get3A_128 = arith.index_cast %mul3A_127 : i32 to index
        %get3A_129 = tpu.vector_load %arg7[%get3A_128] {strides = array<i32>} : memref<8000xi32, #tpu.memory_space<vmem>>, vector<16xi32>,
        %ge3A = arith.cmpi sge, %get3A_125, %broadcast_in_dim3A : vector<16xi32>
        %lt3A_130 = arith.cmpi slt, %get3A_125, %add3A_5 : vector<16xi32>
        %and3A_131 = arith.andi %ge3A, %lt3A_130 : vector<16xi1>
        %select_n3A_132 = arith.select %and3A_131, %broadcast_in_dim3A_9, %broadcast_in_dim3A_11 : vector<16xi1>, vector<16xi32>
        %broadcast_in_dim3A_133 = arith.constant true
        %broadcast_in_dim3A_134 = vector.broadcast %broadcast_in_dim3A_133 : i1 to vector<16xi1>
        %masked_cumsum3A = tpu.scan <sum>, %select_n3A_132 masked %broadcast_in_dim3A_134 : vector<16xi32>, vector<16xi1> -> vector<16xi32>
        %sub3A_135 = arith.subi %masked_cumsum3A, %select_n3A_132 : vector<16xi32>
        %broadcast_in_dim3A_136 = vector.broadcast %scan3A_122 : i32 to vector<16xi32>
        %add3A_137 = arith.addi %broadcast_in_dim3A_136, %sub3A_135 : vector<16xi32>
        %select_n3A_138 = arith.select %and3A_131, %add3A_137, %broadcast_in_dim3A_7 : vector<16xi1>, vector<16xi32>
        tpu.vector_store_idx %arg9[%select_n3A_138], %get3A_129 : memref<8048xi32, #tpu.memory_space<vmem>>[vector<16xi32>], vector<16xi32>,
        %sub3A_139 = arith.subi %get3A_125, %broadcast_in_dim3A : vector<16xi32>
        tpu.vector_store_idx %arg10[%select_n3A_138], %sub3A_139 : memref<8048xi32, #tpu.memory_space<vmem>>[vector<16xi32>], vector<16xi32>,
        %reduce_sum3A = arith.constant true
        %reduce_sum3A_140 = vector.broadcast %reduce_sum3A : i1 to vector<16xi1>
        %reduce_sum3A_141 = tpu.scan <sum>, %select_n3A_132 masked %reduce_sum3A_140 : vector<16xi32>, vector<16xi1> -> vector<16xi32>
        %reduce_sum3A_142 = vector.extract %reduce_sum3A_141[15] : i32 from vector<16xi32>
        %add3A_143 = arith.addi %scan3A_122, %reduce_sum3A_142 : i32
        scf.yield %add3A_143 : i32
      }
      %scan3A_67 = arith.constant 500 : i32
      %jit3A_68 = arith.constant 64 : i32
      %eq3A = arith.constant 0 : i32
      %eq3A_69 = arith.cmpi eq, %jit3A_68, %eq3A : i32
      %jit3A_70 = arith.constant 1 : i32
      %select_n3A_71 = arith.select %eq3A_69, %jit3A_70, %jit3A_68 : i32
      %rem3A_72 = arith.remsi %scan3A_55, %select_n3A_71 : i32
      %ne3A_73 = arith.constant 0 : i32
      %ne3A_74 = arith.cmpi ne, %rem3A_72, %ne3A_73 : i32
      %lt3A = arith.constant 0 : i32
      %lt3A_75 = arith.cmpi slt, %rem3A_72, %lt3A : i32
      %lt3A_76 = arith.constant 0 : i32
      %lt3A_77 = arith.cmpi slt, %select_n3A_71, %lt3A_76 : i32
      %ne3A_78 = arith.xori %lt3A_75, %lt3A_77 : i1
      %and3A_79 = arith.andi %ne3A_78, %ne3A_74 : i1
      %add3A_80 = arith.addi %rem3A_72, %select_n3A_71 : i32
      %select_n3A_81 = arith.select %and3A_79, %add3A_80, %rem3A_72 : i32
      %mul3A_82 = arith.constant 16 : i32
      %mul3A_83 = arith.muli %select_n3A_81, %mul3A_82 : i32
      %add3A_84 = vector.broadcast %mul3A_83 : i32 to vector<16xi32>
      %add3A_85 = arith.addi %iota3A, %add3A_84 : vector<16xi32>
      %swap3A_86 = arith.index_cast %scan3A_66 : i32 to index
      %swap3A_87 = tpu.vector_load %arg9[%swap3A_86] {strides = array<i32>} : memref<8048xi32, #tpu.memory_space<vmem>>, vector<16xi32>,
      tpu.vector_store %arg9[%swap3A_86], %add3A_85 {strides = array<i32>} : memref<8048xi32, #tpu.memory_space<vmem>>, vector<16xi32>,
      %swap3A_88 = arith.index_cast %scan3A_66 : i32 to index
      %swap3A_89 = tpu.vector_load %arg10[%swap3A_88] {strides = array<i32>} : memref<8048xi32, #tpu.memory_space<vmem>>, vector<16xi32>,
      tpu.vector_store %arg10[%swap3A_88], %broadcast_in_dim3A_13 {strides = array<i32>} : memref<8048xi32, #tpu.memory_space<vmem>>, vector<16xi32>,
      %add3A_90 = arith.constant 7 : i32
      %add3A_91 = arith.addi %scan3A_66, %add3A_90 : i32
      %jit3A_92 = arith.constant 8 : i32
      %div3A_93 = arith.divsi %add3A_91, %jit3A_92 : i32
      %sign3A_94 = arith.constant 0 : i32
      %sign3A_95 = arith.cmpi sgt, %add3A_91, %sign3A_94 : i32
      %sign3A_96 = arith.extui %sign3A_95 : i1 to i32
      %sign3A_97 = arith.constant 0 : i32
      %sign3A_98 = arith.cmpi slt, %add3A_91, %sign3A_97 : i32
      %sign3A_99 = arith.extui %sign3A_98 : i1 to i32
      %sign3A_100 = arith.subi %sign3A_96, %sign3A_99 : i32
      %sign3A_101 = arith.constant 0 : i32
      %sign3A_102 = arith.cmpi sgt, %jit3A_92, %sign3A_101 : i32
      %sign3A_103 = arith.extui %sign3A_102 : i1 to i32
      %sign3A_104 = arith.constant 0 : i32
      %sign3A_105 = arith.cmpi slt, %jit3A_92, %sign3A_104 : i32
      %sign3A_106 = arith.extui %sign3A_105 : i1 to i32
      %sign3A_107 = arith.subi %sign3A_103, %sign3A_106 : i32
      %ne3A_108 = arith.cmpi ne, %sign3A_100, %sign3A_107 : i32
      %rem3A_109 = arith.remsi %add3A_91, %jit3A_92 : i32
      %ne3A_110 = arith.constant 0 : i32
      %ne3A_111 = arith.cmpi ne, %rem3A_109, %ne3A_110 : i32
      %and3A_112 = arith.andi %ne3A_108, %ne3A_111 : i1
      %sub3A_113 = arith.constant 1 : i32
      %sub3A_114 = arith.subi %div3A_93, %sub3A_113 : i32
      %select_n3A_115 = arith.select %and3A_112, %sub3A_114, %div3A_93 : i32
      %mul3A_116 = arith.constant 8 : i32
      %mul3A_117 = arith.muli %select_n3A_115, %mul3A_116 : i32
      %add3A_118 = arith.addi %mul3A_15, %scan3A_56 : i32
      %multiple_of3A_119 = tpu.assume_multiple %add3A_118, 8 : i32
      "tpu.region"() ({
        %run_scoped3A = tpu.sem_alloc : memref<!tpu.dma_semaphore, #tpu.memory_space<semaphore_mem>>
        %dma_start3A = arith.constant 0 : i32
        %dma_start3A_121 = tpu.memref_slice %arg9[%dma_start3A] : memref<8048xi32, #tpu.memory_space<vmem>> -> memref<8000xi32, #tpu.memory_space<vmem>>
        %dma_start3A_122 = tpu.memref_slice %arg4[%multiple_of3A_119] : memref<5441536xi32, #tpu.memory_space<hbm>> -> memref<8000xi32, #tpu.memory_space<hbm>>
        %dma_start3A_123 = tpu.memref_slice %arg4[%multiple_of3A_119] : memref<5441536xi32, #tpu.memory_space<hbm>> -> memref<8000xi32, #tpu.memory_space<hbm>>
        %dma_start3A_124 = arith.constant 0 : i32
        %dma_start3A_125 = tpu.memref_slice %arg9[%dma_start3A_124] : memref<8048xi32, #tpu.memory_space<vmem>> -> memref<8000xi32, #tpu.memory_space<vmem>>
        tpu.enqueue_dma source(%dma_start3A_125 : memref<8000xi32, #tpu.memory_space<vmem>>) target(%dma_start3A_123 : memref<8000xi32, #tpu.memory_space<hbm>>) target_semaphore(%run_scoped3A : memref<!tpu.dma_semaphore, #tpu.memory_space<semaphore_mem>>)
        %dma_wait3A = arith.constant 0 : i32
        %dma_wait3A_126 = tpu.memref_slice %arg9[%dma_wait3A] : memref<8048xi32, #tpu.memory_space<vmem>> -> memref<8000xi32, #tpu.memory_space<vmem>>
        %dma_wait3A_127 = tpu.memref_slice %arg4[%multiple_of3A_119] : memref<5441536xi32, #tpu.memory_space<hbm>> -> memref<8000xi32, #tpu.memory_space<hbm>>
        %dma_wait3A_128 = tpu.memref_slice %arg4[%multiple_of3A_119] : memref<5441536xi32, #tpu.memory_space<hbm>> -> memref<8000xi32, #tpu.memory_space<hbm>>
        %dma_wait3A_129 = arith.constant 0 : i32
        %dma_wait3A_130 = tpu.memref_slice %arg9[%dma_wait3A_129] : memref<8048xi32, #tpu.memory_space<vmem>> -> memref<8000xi32, #tpu.memory_space<vmem>>
        tpu.wait_dma2 semaphore(%run_scoped3A : memref<!tpu.dma_semaphore, #tpu.memory_space<semaphore_mem>>) src(%dma_wait3A_130 : memref<8000xi32, #tpu.memory_space<vmem>>) dst(%dma_wait3A_128 : memref<8000xi32, #tpu.memory_space<hbm>>)
        tpu.yield
      }) : () -> ()
      "tpu.region"() ({
        %run_scoped3A = tpu.sem_alloc : memref<!tpu.dma_semaphore, #tpu.memory_space<semaphore_mem>>
        %dma_start3A = arith.constant 0 : i32
        %dma_start3A_121 = tpu.memref_slice %arg10[%dma_start3A] : memref<8048xi32, #tpu.memory_space<vmem>> -> memref<8000xi32, #tpu.memory_space<vmem>>
        %dma_start3A_122 = tpu.memref_slice %arg5[%multiple_of3A_119] : memref<5441536xi32, #tpu.memory_space<hbm>> -> memref<8000xi32, #tpu.memory_space<hbm>>
        %dma_start3A_123 = tpu.memref_slice %arg5[%multiple_of3A_119] : memref<5441536xi32, #tpu.memory_space<hbm>> -> memref<8000xi32, #tpu.memory_space<hbm>>
        %dma_start3A_124 = arith.constant 0 : i32
        %dma_start3A_125 = tpu.memref_slice %arg10[%dma_start3A_124] : memref<8048xi32, #tpu.memory_space<vmem>> -> memref<8000xi32, #tpu.memory_space<vmem>>
        tpu.enqueue_dma source(%dma_start3A_125 : memref<8000xi32, #tpu.memory_space<vmem>>) target(%dma_start3A_123 : memref<8000xi32, #tpu.memory_space<hbm>>) target_semaphore(%run_scoped3A : memref<!tpu.dma_semaphore, #tpu.memory_space<semaphore_mem>>)
        %dma_wait3A = arith.constant 0 : i32
        %dma_wait3A_126 = tpu.memref_slice %arg10[%dma_wait3A] : memref<8048xi32, #tpu.memory_space<vmem>> -> memref<8000xi32, #tpu.memory_space<vmem>>
        %dma_wait3A_127 = tpu.memref_slice %arg5[%multiple_of3A_119] : memref<5441536xi32, #tpu.memory_space<hbm>> -> memref<8000xi32, #tpu.memory_space<hbm>>
        %dma_wait3A_128 = tpu.memref_slice %arg5[%multiple_of3A_119] : memref<5441536xi32, #tpu.memory_space<hbm>> -> memref<8000xi32, #tpu.memory_space<hbm>>
        %dma_wait3A_129 = arith.constant 0 : i32
        %dma_wait3A_130 = tpu.memref_slice %arg10[%dma_wait3A_129] : memref<8048xi32, #tpu.memory_space<vmem>> -> memref<8000xi32, #tpu.memory_space<vmem>>
        tpu.wait_dma2 semaphore(%run_scoped3A : memref<!tpu.dma_semaphore, #tpu.memory_space<semaphore_mem>>) src(%dma_wait3A_130 : memref<8000xi32, #tpu.memory_space<vmem>>) dst(%dma_wait3A_128 : memref<8000xi32, #tpu.memory_space<hbm>>)
        tpu.yield
      }) : () -> ()
      %add3A_120 = arith.addi %scan3A_56, %mul3A_117 : i32
      scf.yield %add3A_120 : i32
    }
    %scan3A_21 = arith.constant 20 : i32
    %scan3A_22 = arith.constant 0 : i32
    %scan3A_23 = arith.constant 0 : i32
    %scan3A_24 = arith.constant 8 : i32
    %scan3A_25 = arith.addi %scan3A_23, %scan3A_24 : i32
    %scan3A_26 = arith.constant 1 : i32
    %scan3A_27 = scf.for %scan3A_55 = %scan3A_23 to %scan3A_25 step %scan3A_26 iter_args(%scan3A_56 = %scan3A_22) -> (i32)  : i32 {
      %mul3A_57 = arith.constant 16 : i32
      %mul3A_58 = arith.muli %scan3A_55, %mul3A_57 : i32
      %add3A_59 = vector.broadcast %mul3A_58 : i32 to vector<16xi32>
      %add3A_60 = arith.addi %iota3A, %add3A_59 : vector<16xi32>
      %mul3A_61 = arith.constant 16 : i32
      %mul3A_62 = arith.muli %scan3A_55, %mul3A_61 : i32
      %swap3A_63 = arith.index_cast %mul3A_62 : i32 to index
      %swap3A_64 = tpu.vector_load %arg7[%swap3A_63] {strides = array<i32>} : memref<8000xi32, #tpu.memory_space<vmem>>, vector<16xi32>,
      tpu.vector_store %arg7[%swap3A_63], %add3A_60 {strides = array<i32>} : memref<8000xi32, #tpu.memory_space<vmem>>, vector<16xi32>,
      %mul3A_65 = arith.constant 16 : i32
      %mul3A_66 = arith.muli %scan3A_55, %mul3A_65 : i32
      %swap3A_67 = arith.index_cast %mul3A_66 : i32 to index
      %swap3A_68 = tpu.vector_load %arg8[%swap3A_67] {strides = array<i32>} : memref<8000xi32, #tpu.memory_space<vmem>>, vector<16xi32>,
      tpu.vector_store %arg8[%swap3A_67], %broadcast_in_dim3A_13 {strides = array<i32>} : memref<8000xi32, #tpu.memory_space<vmem>>, vector<16xi32>,
      %scan3A_69 = arith.constant 0 : i32
      scf.yield %scan3A_69 : i32
    }
    %scan3A_28 = arith.constant 8 : i32
    %add3A_29 = arith.addi %mul3A_15, %scan3A_20 : i32
    %multiple_of3A = tpu.assume_multiple %add3A_29, 8 : i32
    "tpu.region"() ({
      %run_scoped3A = tpu.sem_alloc : memref<!tpu.dma_semaphore, #tpu.memory_space<semaphore_mem>>
      %dma_start3A = arith.constant 0 : i32
      %dma_start3A_55 = tpu.memref_slice %arg7[%dma_start3A] : memref<8000xi32, #tpu.memory_space<vmem>> -> memref<128xi32, #tpu.memory_space<vmem>>
      %dma_start3A_56 = tpu.memref_slice %arg4[%multiple_of3A] : memref<5441536xi32, #tpu.memory_space<hbm>> -> memref<128xi32, #tpu.memory_space<hbm>>
      %dma_start3A_57 = tpu.memref_slice %arg4[%multiple_of3A] : memref<5441536xi32, #tpu.memory_space<hbm>> -> memref<128xi32, #tpu.memory_space<hbm>>
      %dma_start3A_58 = arith.constant 0 : i32
      %dma_start3A_59 = tpu.memref_slice %arg7[%dma_start3A_58] : memref<8000xi32, #tpu.memory_space<vmem>> -> memref<128xi32, #tpu.memory_space<vmem>>
      tpu.enqueue_dma source(%dma_start3A_59 : memref<128xi32, #tpu.memory_space<vmem>>) target(%dma_start3A_57 : memref<128xi32, #tpu.memory_space<hbm>>) target_semaphore(%run_scoped3A : memref<!tpu.dma_semaphore, #tpu.memory_space<semaphore_mem>>)
      %dma_wait3A = arith.constant 0 : i32
      %dma_wait3A_60 = tpu.memref_slice %arg7[%dma_wait3A] : memref<8000xi32, #tpu.memory_space<vmem>> -> memref<128xi32, #tpu.memory_space<vmem>>
      %dma_wait3A_61 = tpu.memref_slice %arg4[%multiple_of3A] : memref<5441536xi32, #tpu.memory_space<hbm>> -> memref<128xi32, #tpu.memory_space<hbm>>
      %dma_wait3A_62 = tpu.memref_slice %arg4[%multiple_of3A] : memref<5441536xi32, #tpu.memory_space<hbm>> -> memref<128xi32, #tpu.memory_space<hbm>>
      %dma_wait3A_63 = arith.constant 0 : i32
      %dma_wait3A_64 = tpu.memref_slice %arg7[%dma_wait3A_63] : memref<8000xi32, #tpu.memory_space<vmem>> -> memref<128xi32, #tpu.memory_space<vmem>>
      tpu.wait_dma2 semaphore(%run_scoped3A : memref<!tpu.dma_semaphore, #tpu.memory_space<semaphore_mem>>) src(%dma_wait3A_64 : memref<128xi32, #tpu.memory_space<vmem>>) dst(%dma_wait3A_62 : memref<128xi32, #tpu.memory_space<hbm>>)
      tpu.yield
    }) : () -> ()
    "tpu.region"() ({
      %run_scoped3A = tpu.sem_alloc : memref<!tpu.dma_semaphore, #tpu.memory_space<semaphore_mem>>
      %dma_start3A = arith.constant 0 : i32
      %dma_start3A_55 = tpu.memref_slice %arg8[%dma_start3A] : memref<8000xi32, #tpu.memory_space<vmem>> -> memref<128xi32, #tpu.memory_space<vmem>>
      %dma_start3A_56 = tpu.memref_slice %arg5[%multiple_of3A] : memref<5441536xi32, #tpu.memory_space<hbm>> -> memref<128xi32, #tpu.memory_space<hbm>>
      %dma_start3A_57 = tpu.memref_slice %arg5[%multiple_of3A] : memref<5441536xi32, #tpu.memory_space<hbm>> -> memref<128xi32, #tpu.memory_space<hbm>>
      %dma_start3A_58 = arith.constant 0 : i32
      %dma_start3A_59 = tpu.memref_slice %arg8[%dma_start3A_58] : memref<8000xi32, #tpu.memory_space<vmem>> -> memref<128xi32, #tpu.memory_space<vmem>>
      tpu.enqueue_dma source(%dma_start3A_59 : memref<128xi32, #tpu.memory_space<vmem>>) target(%dma_start3A_57 : memref<128xi32, #tpu.memory_space<hbm>>) target_semaphore(%run_scoped3A : memref<!tpu.dma_semaphore, #tpu.memory_space<semaphore_mem>>)
      %dma_wait3A = arith.constant 0 : i32
      %dma_wait3A_60 = tpu.memref_slice %arg8[%dma_wait3A] : memref<8000xi32, #tpu.memory_space<vmem>> -> memref<128xi32, #tpu.memory_space<vmem>>
      %dma_wait3A_61 = tpu.memref_slice %arg5[%multiple_of3A] : memref<5441536xi32, #tpu.memory_space<hbm>> -> memref<128xi32, #tpu.memory_space<hbm>>
      %dma_wait3A_62 = tpu.memref_slice %arg5[%multiple_of3A] : memref<5441536xi32, #tpu.memory_space<hbm>> -> memref<128xi32, #tpu.memory_space<hbm>>
      %dma_wait3A_63 = arith.constant 0 : i32
      %dma_wait3A_64 = tpu.memref_slice %arg8[%dma_wait3A_63] : memref<8000xi32, #tpu.memory_space<vmem>> -> memref<128xi32, #tpu.memory_space<vmem>>
      tpu.wait_dma2 semaphore(%run_scoped3A : memref<!tpu.dma_semaphore, #tpu.memory_space<semaphore_mem>>) src(%dma_wait3A_64 : memref<128xi32, #tpu.memory_space<vmem>>) dst(%dma_wait3A_62 : memref<128xi32, #tpu.memory_space<hbm>>)
      tpu.yield
    }) : () -> ()
    %add3A_30 = arith.constant 128 : i32
    %add3A_31 = arith.addi %scan3A_20, %add3A_30 : i32
    %sub3A = arith.constant 1 : i32
    %sub3A_32 = arith.subi %add3A_31, %sub3A : i32
    %jit3A = arith.constant 128 : i32
    %div3A = arith.divsi %sub3A_32, %jit3A : i32
    %sign3A = arith.constant 0 : i32
    %sign3A_33 = arith.cmpi sgt, %sub3A_32, %sign3A : i32
    %sign3A_34 = arith.extui %sign3A_33 : i1 to i32
    %sign3A_35 = arith.constant 0 : i32
    %sign3A_36 = arith.cmpi slt, %sub3A_32, %sign3A_35 : i32
    %sign3A_37 = arith.extui %sign3A_36 : i1 to i32
    %sign3A_38 = arith.subi %sign3A_34, %sign3A_37 : i32
    %sign3A_39 = arith.constant 0 : i32
    %sign3A_40 = arith.cmpi sgt, %jit3A, %sign3A_39 : i32
    %sign3A_41 = arith.extui %sign3A_40 : i1 to i32
    %sign3A_42 = arith.constant 0 : i32
    %sign3A_43 = arith.cmpi slt, %jit3A, %sign3A_42 : i32
    %sign3A_44 = arith.extui %sign3A_43 : i1 to i32
    %sign3A_45 = arith.subi %sign3A_41, %sign3A_44 : i32
    %ne3A = arith.cmpi ne, %sign3A_38, %sign3A_45 : i32
    %rem3A = arith.remsi %sub3A_32, %jit3A : i32
    %ne3A_46 = arith.constant 0 : i32
    %ne3A_47 = arith.cmpi ne, %rem3A, %ne3A_46 : i32
    %and3A = arith.andi %ne3A, %ne3A_47 : i1
    %sub3A_48 = arith.constant 1 : i32
    %sub3A_49 = arith.subi %div3A, %sub3A_48 : i32
    %select_n3A = arith.select %and3A, %sub3A_49, %div3A : i32
    %broadcast_in_dim3A_50 = vector.broadcast %select_n3A : i32 to vector<16xi32>
    %swap3A = arith.constant 0 : index
    %swap3A_51 = tpu.vector_load %arg11[%swap3A] {strides = array<i32>} : memref<16xi32, #tpu.memory_space<vmem>>, vector<16xi32>,
    tpu.vector_store %arg11[%swap3A], %broadcast_in_dim3A_50 {strides = array<i32>} : memref<16xi32, #tpu.memory_space<vmem>>, vector<16xi32>,
    %mul3A_52 = arith.constant 16 : i32
    %mul3A_53 = arith.muli %add3A, %mul3A_52 : i32
    %multiple_of3A_54 = tpu.assume_multiple %mul3A_53, 8 : i32
    "tpu.region"() ({
      %run_scoped3A = tpu.sem_alloc : memref<!tpu.dma_semaphore, #tpu.memory_space<semaphore_mem>>
      %dma_start3A = tpu.memref_slice %arg6[%multiple_of3A_54] : memref<512xi32, #tpu.memory_space<hbm>> -> memref<16xi32, #tpu.memory_space<hbm>>
      %dma_start3A_55 = tpu.memref_slice %arg6[%multiple_of3A_54] : memref<512xi32, #tpu.memory_space<hbm>> -> memref<16xi32, #tpu.memory_space<hbm>>
      tpu.enqueue_dma source(%arg11 : memref<16xi32, #tpu.memory_space<vmem>>) target(%dma_start3A_55 : memref<16xi32, #tpu.memory_space<hbm>>) target_semaphore(%run_scoped3A : memref<!tpu.dma_semaphore, #tpu.memory_space<semaphore_mem>>)
      %dma_wait3A = tpu.memref_slice %arg6[%multiple_of3A_54] : memref<512xi32, #tpu.memory_space<hbm>> -> memref<16xi32, #tpu.memory_space<hbm>>
      %dma_wait3A_56 = tpu.memref_slice %arg6[%multiple_of3A_54] : memref<512xi32, #tpu.memory_space<hbm>> -> memref<16xi32, #tpu.memory_space<hbm>>
      tpu.wait_dma2 semaphore(%run_scoped3A : memref<!tpu.dma_semaphore, #tpu.memory_space<semaphore_mem>>) src(%arg11 : memref<16xi32, #tpu.memory_space<vmem>>) dst(%dma_wait3A_56 : memref<16xi32, #tpu.memory_space<hbm>>)
      tpu.yield
    }) : () -> ()
    return
  }
}

</mosaic_0001>

<sc_bundles>
// kernel: _partition.3.cloned.1.call-start
scs
__scs_entry_jumppad:
0x0: {  	(pc) =	sbr.rel $0x88, $3  }
0x1: {  	(tag) =	ssettag $0x0;
	lr =	simm.s32 $0x1  }
0x2: {  	[smem:$0x3F9F] =	sst lr;
	_ =	strace $0xD0000000  }
0x3: {  	_ = 	snop  }
0x4: {  	_ = 	snop  }
0x5: {  	_ = 	snop  }
0x6: {  	_ = 	snop  }
0x7: {  	_ = 	snop  }
__scs_overlays_trampoline_lowered:
0x8: {  	[smem:$0x3FAE] =	sst s0  }
0x9: {  	[smem:$0x3FAF] =	sst s1  }
0xa: {  	[smem:$0x3FB0] =	sst s2  }
0xb: {  	[smem:$0x3FB1] =	sst s3  }
0xc: {  	[smem:$0x3FB2] =	sst s4  }
0xd: {  	[smem:$0x3FB3] =	sst s5  }
0xe: {  	[smem:$0x3FB4] =	sst s6  }
0xf: {  	[smem:$0x3FB5] =	sst s7  }
0x10: {  	[smem:$0x3FB6] =	sst s8  }
0x11: {  	[smem:$0x3FB7] =	sst s9;
	s0 =	simm.s32 @!p0 $0x0  }
0x12: {  	s1 =	sld [smem:$0x3F9D];
	s0 =	simm.s32 @p0 $0x1  }
0x13: {  	[smem:$0x3FB8] =	sst s0;
	s0 =	simm.s32 @!p1 $0x0  }
0x14: {  	s2 =	sld [smem:$0x3F9C];
	s0 =	simm.s32 @p1 $0x1  }
0x15: {  	[smem:$0x3FB9] =	sst s0;
	s0 =	simm.s32 @!p2 $0x0  }
0x16: {  	s3 =	sld [smem:$0x3FDB];
	s0 =	simm.s32 @p2 $0x1  }
0x17: {  	s4 =	simm.s32 $0x1BF5;
	[smem:$0x3FBB] =	sst s0  }
0x18: {  	s0 =	sld [smem:$0x3F9E];
	_ =	swait.ge [sflag:s4], $0x0  }
0x19: {  	s7 =	sld [smem:$0x3F9F]  }
0x1a: {  	s8 =	sadd.s32 $0xFFFFE003, lr  }
0x1b: {  	s9 =	sadd.s32 $0xFFFFFEF7, lr;
	s5 =	simm.s32 $0xFFFFFFFF;
	p2 =	slt.u32 s8, $0xFFFFF086  }
0x1c: {  	p1 =	slt.u32 s9, $0xF7A;
	s5 =	simm.s32 @!p2 $0x0  }
0x1d: {  	s5 =	simm.s32 @p1 $0x1;
	p0 =	seq.s32 s7, s2  }
0x1e: {  	s7 =	smul.u32 @!p0 $0xF7A, s2;
	p2 =	seq.s32 @!p0 s5, $0x0  }
0x1f: {  	s9 =	smul.u32 $0xF7A, s1;
	s8 =	simm.s32 @!p0 $0x1BF5;
	p2 =	por !p2, p0  }
0x20: {  	[sflag:s8] =	ssyncset.s32 @!p0 $0xFFFFF086;
	s6 =	sadd.s32 @!p0 s3, s7;
	s7 =	simm.s32 @!p0 $0x108  }
0x21: {  	s3 =	sadd.s32 s3, s9;
	s6 =	sadd.s32 @!p0 $0x88, s6;
	s7 =	simm.s32 @p2 $0x1082  }
0x22: {  	[simem:s7], [sflag:s8] =	dma.local @!p0 [hbm:s6], $0xF7A  }
0x23: {  	s9 =	sor.u32 $0xD0000000, s2;
	s6 =	simm.s32 $0x108;
	_ =	swait.ge @!p0 [sflag:s8], $0x0  }
0x24: {  	s3 =	sadd.s32 $0x88, s3;
	s6 =	simm.s32 @!p1 $0x1082;
	[sflag:s4] =	ssyncset.s32 $0xFFFFF086  }
0x25: {  	[simem:s6], [sflag:s4] =	dma.local [hbm:s3], $0xF7A  }
0x26: {  	[smem:$0x3F9F] =	sst s1;
	(tag) =	ssettag s2;
	_ =	strace s9  }
0x27: {  	s1 =	sld [smem:$0x3FAF]  }
0x28: {  	s2 =	sld [smem:$0x3FB0]  }
0x29: {  	s4 =	sld [smem:$0x3FB2]  }
0x2a: {  	p0 =	seq.s32 s5, $0x0;
	s5 =	sld [smem:$0x3FB3]  }
0x2b: {  	s6 =	sld [smem:$0x3FB4]  }
0x2c: {  	s7 =	sld [smem:$0x3FB5]  }
0x2d: {  	s3 =	simm.s32 $0x108;
	s8 =	sld [smem:$0x3FB6]  }
0x2e: {  	s3 =	simm.s32 @!p0 $0x1082;
	s9 =	sld [smem:$0x3FB7]  }
0x2f: {  	lr =	sadd.s32 s0, s3;
	s0 =	sld [smem:$0x3FAE]  }
0x30: {  	s3 =	sld [smem:$0x3FB1]  }
0x31: {  	[smem:$0x3FBA] =	sst s10  }
0x32: {  	s10 =	sld [smem:$0x3FB8];
	_ =	sdelay $0x3  }
0x33: {  	p0 =	seq.s32 s10, $0x1;
	s10 =	sld [smem:$0x3FBA];
	_ =	sdelay $0x3  }
0x34: {  	[smem:$0x3FBA] =	sst s10  }
0x35: {  	s10 =	sld [smem:$0x3FB9];
	_ =	sdelay $0x3  }
0x36: {  	p1 =	seq.s32 s10, $0x1;
	s10 =	sld [smem:$0x3FBA];
	_ =	sdelay $0x3  }
0x37: {  	[smem:$0x3FBA] =	sst s10  }
0x38: {  	s10 =	sld [smem:$0x3FBB]  }
0x39: {  	_ = 	snop;
	(pc) =	sbr.ind lr, $3  }
0x3a: {  	_ = 	snop  }
0x3b: {  	_ = 	snop  }
0x3c: {  	p2 =	seq.s32 s10, $0x1;
	s10 =	sld [smem:$0x3FBA]  }
0x3d: {  	_ =	shalt  }
0x3e: {  	_ =	shalt  }
0x3f: {  	_ =	shalt  }
0x40: {  	_ =	shalt  }
0x41: {  	_ =	shalt  }
0x42: {  	_ =	shalt  }
0x43: {  	_ =	shalt  }
0x44: {  	_ =	shalt  }
0x45: {  	_ =	shalt  }
0x46: {  	_ =	shalt  }
0x47: {  	_ =	shalt  }
0x48: {  	_ =	shalt  }
0x49: {  	_ =	shalt  }
0x4a: {  	_ =	shalt  }
0x4b: {  	_ =	shalt  }
0x4c: {  	_ =	shalt  }
0x4d: {  	_ =	shalt  }
0x4e: {  	_ =	shalt  }
0x4f: {  	_ =	shalt  }
0x50: {  	_ =	shalt  }
0x51: {  	_ =	shalt  }
0x52: {  	_ =	shalt  }
0x53: {  	_ =	shalt  }
0x54: {  	_ =	shalt  }
0x55: {  	_ =	shalt  }
0x56: {  	_ =	shalt  }
0x57: {  	_ =	shalt  }
0x58: {  	_ =	shalt  }
0x59: {  	_ =	shalt  }
0x5a: {  	_ =	shalt  }
0x5b: {  	_ =	shalt  }
0x5c: {  	_ =	shalt  }
0x5d: {  	_ =	shalt  }
0x5e: {  	_ =	shalt  }
0x5f: {  	_ =	shalt  }
0x60: {  	_ =	shalt  }
0x61: {  	_ =	shalt  }
0x62: {  	_ =	shalt  }
0x63: {  	_ =	shalt  }
0x64: {  	_ =	shalt  }
0x65: {  	_ =	shalt  }
0x66: {  	_ =	shalt  }
0x67: {  	_ =	shalt  }
0x68: {  	_ =	shalt  }
0x69: {  	_ =	shalt  }
0x6a: {  	_ =	shalt  }
0x6b: {  	_ =	shalt  }
0x6c: {  	_ =	shalt  }
0x6d: {  	_ =	shalt  }
0x6e: {  	_ =	shalt  }
0x6f: {  	_ =	shalt  }
0x70: {  	_ =	shalt  }
0x71: {  	_ =	shalt  }
0x72: {  	_ =	shalt  }
0x73: {  	_ =	shalt  }
0x74: {  	_ =	shalt  }
0x75: {  	_ =	shalt  }
0x76: {  	_ =	shalt  }
0x77: {  	_ =	shalt  }
0x78: {  	_ =	shalt  }
0x79: {  	_ =	shalt  }
0x7a: {  	_ =	shalt  }
0x7b: {  	_ =	shalt  }
0x7c: {  	_ =	shalt  }
0x7d: {  	_ =	shalt  }
0x7e: {  	_ =	shalt  }
0x7f: {  	_ =	shalt  }
0x80: {  	_ =	shalt  }
0x81: {  	_ =	shalt  }
0x82: {  	_ =	shalt  }
0x83: {  	_ =	shalt  }
0x84: {  	_ =	shalt  }
0x85: {  	_ =	shalt  }
0x86: {  	_ =	shalt  }
0x87: {  	_ =	shalt  }
.Lfunc_end0:
.L_simem_size_0:
called_computation_lowered:
.L_overlay_start_0:
0x88: {  	s2 =	sld [smem:$0x3FD9]  }
0x89: {  	s3 =	sld [smem:$0x3FFE];
	_ =	sdelay $0x1  }
0x8a: {  	s1 =	srdreg.scid  }
0x8b: {  	s0 =	sand.u32 $0x1, s1  }
0x8c: {  	s15 =	sshll.u32 s0, $0xA;
	s2 =	sadd.s32 s3, s2  }
0x8d: {  	s2 =	sadd.s32 s2, s15  }
0x8e: {  	[smem:$0x3FC6] =	sst s2  }
0x8f: {  	_ = 	snop  }
0x90: {  	s2 =	sld [smem:$0x3FD0];
	_ =	sdelay $0x1  }
0x91: {  	s16 =	sld [smem:$0x3FC9]  }
0x92: {  	s5 =	simm.s32 $0xA;
	s6 =	simm.s32 $0x10;
	s4 =	sld [smem:$0x3FC8]  }
0x93: {  	[smem:s6], [sflag:s5] =	dma.local [hbm:s2], $0x1  }
0x94: {  	_ =	swait.eq [sflag:s5], $0x1  }
0x95: {  	s17 =	sld [smem:$0x10];
	[sflag:s5] =	ssyncset.done $0x0  }
0x96: {  	s18 =	sld [smem:$0x11];
	[sflag:s5] =	ssyncadd.s32 $0xFFFFFFFF  }
0x97: {  	s19 =	sld [smem:$0x12];
	(tm) =	ssettm $0x1  }
0x98: {  	s7 =	sld [smem:$0x3FFB];
	_ =	sdelay $0x3  }
0x99: {  	_ =	strace s7  }
0x9a: {  	s7 =	sld [smem:$0x3FFC];
	_ =	sdelay $0x3  }
0x9b: {  	_ =	strace s7  }
0x9c: {  	s7 =	sld [smem:$0x3FFD];
	_ =	sdelay $0x3  }
0x9d: {  	_ =	strace s7  }
0x9e: {  	_ =	strace $0x8FFFFFFF  }
0x9f: {  	s20 =	sld [smem:$0x3FDB];
	_ =	sdelay $0x1  }
0xa0: {  	s8 =	simm.s32 $_scs_section_size  }
0xa1: {  	s9 =	simm.s32 $_size__tile_overlayer_lowered;
	s10 =	simm.s32 $_tile_overlayer_lowered  }
0xa2: {  	s23 =	simm.s32 $0x1BFF;
	s22 =	sshll.u32 s10, $0x1;
	s7 =	sadd.s32 s8, s20  }
0xa3: {  	s11 =	simm.s32 $0x0;
	s21 =	sshll.u32 s9, $0x1;
	s9 =	sadd.s32 s22, s7  }
0xa4: {  	[timem:s11], [sflag:s23] =	dma.local [hbm:s9], s21  }
0xa5: {  	_ =	swait.ge [sflag:s23], s21  }
0xa6: {  	s8 =	ssub.s32 $0x0, s21;
	[sflag:s23] =	ssyncset.done $0x0  }
0xa7: {  	[sflag:s23] =	ssyncadd.s32 s8;
	_ =	sdelay $0x1  }
0xa8: {  	s24 =	simm.s32 $0x1B8B  }
0xa9: {  	_ =	swait.ge [sflag:s24], $0x1  }
0xaa: {  	[sflag:s24] =	ssyncset.done $0x0  }
0xab: {  	s25 =	simm.s32 $0x1B8E;
	[sflag:s24] =	ssyncadd.s32 $0xFFFFFFFF  }
0xac: {  	s26 =	simm.s32 $execute0_lowered;
	[smem:$0x3FD2] =	sst s25  }
0xad: {  	s8 =	sshll.u32 s26, $0x1;
	_ =	strace $0x80000046;
	[dreg:$0x1] =	wrdreg $0xFFFFFFFF  }
0xae: {  	s28 =	simm.s32 $_size_execute0_lowered;
	s7 =	sadd.s32 s7, s8;
	[dreg:$0x0] =	wrdreg $0x0  }
0xaf: {  	s8 =	sshll.u32 s28, $0x1;
	[dreg:$0x2] =	wrdreg s7  }
0xb0: {  	[dreg:$0x3] =	wrdreg s8  }
0xb1: {  	[dreg:$0x4] =	wrdreg $0xC0  }
0xb2: {  	_ =	task [dreg:s11], $0x5FFFF  }
0xb3: {  	[dreg:$0x1] =	wrdreg $0xFFFFFFFF  }
0xb4: {  	[dreg:$0x0] =	wrdreg $0x60  }
0xb5: {  	[dreg:$0x2] =	wrdreg s16  }
0xb6: {  	[dreg:$0x3] =	wrdreg s4  }
0xb7: {  	[dreg:$0x4] =	wrdreg s17  }
0xb8: {  	[dreg:$0x5] =	wrdreg s18  }
0xb9: {  	[dreg:$0x6] =	wrdreg s19  }
0xba: {  	[dreg:$0x7] =	wrdreg $0x9  }
0xbb: {  	_ =	task.clear_ibuf [dreg:s11], $0x8FFFF;
	_ =	strace $0x90000046  }
0xbc: {  	s29 =	simm.s32 $0x9;
	_ =	strace $0x80000048  }
0xbd: {  	_ =	swait.ge [sflag:s29], $0x1  }
0xbe: {  	[sflag:s29] =	ssyncadd.s32 $0xFFFFFFFF  }
0xbf: {  	_ =	strace $0x90000048  }
0xc0: {  	_ =	sfence  }
0xc1: {  	s30 =	sld [smem:$0x0];
	_ =	sdelay $0x2  }
0xc2: {  	s31 =	sshll.u32 s1, $0xD;
	s1 =	sshrl.u32 s1, $0x2  }
0xc3: {  	s3 =	sand.u32 $0x4000, s31;
	s1 =	sadd.s32 s1, s30  }
0xc4: {  	s0 =	sor.u32 s3, s0;
	s1 =	sshll.u32 s1, $0x11  }
0xc5: {  	s0 =	sor.u32 s1, s0  }
0xc6: {  	s0 =	sadd.s32 $0x8F2B, s0  }
0xc7: {  	[sflag:s0] =	ssyncadd.remote.s32 $0x1  }
0xc8: {  	_ =	sfence.sel $0xFFFF  }
0xc9: {  	[dreg:$0x0] =	wrdreg $0xFFFFFFFF;
	(pc) =	sbr.abs _section_cstart, $3  }
0xca: {  	[dreg:$0x1] =	wrdreg $0xFFFFFFFF  }
0xcb: {  	_ =	task.clear_ibuf [dreg:s11], $0x2FFFF;
	_ =	strace $0x9FFFFFFF  }
0xcc: {  	(tm) =	ssettm $0x7FFFFFFF  }
0xcd: {  	_ =	shalt  }
tec
execute0_lowered:
.L_overlay_start_1:
0x0: {  	(tag) =	ssettag $0x1  }
0x1: {  	s0 =	rddreg [dreg:$0x0]  }
0x2: {  	s2 =	rddreg [dreg:$0x1]  }
0x3: {  	s3 =	rddreg [dreg:$0x2]  }
0x4: {  	s5 =	rddreg [dreg:$0x3]  }
0x5: {  	s1 =	srdreg.scid;
	s9 =	rddreg [dreg:$0x4];
	s6 =	simm.s32 $0x0  }
0x6: {  	s12 =	simm.s32 $0x3F00;
	s13 =	simm.s32 $0x5E80;
	s7 =	sand.u32 $0x1, s1  }
0x7: {  	s14 =	simm.s32 $0x7E00;
	s1 =	stileid.u32;
	s4 =	sshll.u32 s7, $0x4  }
0x8: {  	s15 =	simm.s32 $0x0;
	s7 =	ssub.s32 $0x2, s7;
	s8 =	sor.u32 s1, s4  }
0x9: {  	v2 =	vlaneseq.u32;
	v3 =	vimm.s32 $0x0;
	v4 =	vimm.s32 $0x140;
	[smem:$0x7FF] =	sst s6;
	s11 =	sshrl.u32 s7, $0x1;
	s10 =	smul.u32 $0x140, s8  }
0xa: {  	v5 =	vor.u32 $0x10, v2;
	v6 =	vor.u32 $0x20, v2;
	v7 =	vor.u32 $0x30, v2;
	s4 =	rddreg [dreg:$0x5];
	_ =	strace $0x80000047;
	s30 =	ssub.s32 s7, s11  }
0xb: {  	v8 =	vor.u32 $0x40, v2;
	v9 =	vor.u32 $0x50, v2;
	s31 =	sshll.u32 s8, $0x1;
	s7 =	smul.u32 $0x29840, s8;
	s11 =	simm.s32 $0x1F80;
	v0 =	vmov s10  }
0xc: {  	v10 =	vor.u32 $0x60, v2;
	v11 =	vor.u32 $0x70, v2;
	s8 =	sadd.s32 s9, s31;
	s9 =	smax.u32 s30, $0x1;
	s10 =	simm.s32 $0x1;
	v1 =	vadd.s32 $0x140, v0  }
.LBB2_1:
0xd: {  	s16 =	simm.s32 $0x0;
	s17 =	simm.s32 $0x0  }
.LBB2_2:
0xe: {  	s19 =	smul.u32 $0x3E8, s17;
	_ =	sdelay $0x1  }
0xf: {  	s18 =	simm.s32 $0x0;
	s20 =	sadd.s32 s0, s19  }
0x10: {  	[tilespmem:s18], [sflag:$0x1] =	stream.linear.gather [hbm4b:s20+s18], $0x1F40, $0x38;
	[tilespmem:$0x7E80] =	vst v63  }
0x11: {  	_ =	swait.ge [sflag:s10], $0x1F40  }
0x12: {  	[sflag:s10] =	ssyncset.done $0x0  }
0x13: {  	s19 =	sadd.s32 s2, s19;
	[sflag:s10] =	ssyncadd.s32 $0xFFFFE0C0  }
0x14: {  	[tilespmem:s11], [sflag:$0x1] =	stream.linear.gather [hbm4b:s19+s18], $0x1F40, $0x38;
	[tilespmem:$0x7E80] =	vst v63  }
0x15: {  	_ =	swait.ge [sflag:s10], $0x1F40  }
0x16: {  	[sflag:s10] =	ssyncset.done $0x0  }
0x17: {  	s20 =	simm.s32 $0x0;
	[sflag:s10] =	ssyncadd.s32 $0xFFFFE0C0  }
0x18: {  	v12 =	vld [tilespmem:s20+$0x1F80];
	_ =	sdelay $0x4  }
0x19: {  	vm0 =	vge.s32 v12, v0;
	vm1 =	vlt.s32 v12, v1  }
0x1a: {  	vm0 =	vmand vm0, vm1  }
0x1b: {  	v13 =	vsel vm0, $0x1, v3  }
0x1c: {  	(xrf0) =	vadd.scan.msk.s32 $0xffff, v13;
	_ =	sdelay $0x4  }
0x1d: {  	s21 =	simm.s32 $0x80;
	s19 =	simm.s32 $0x40;
	v13 =	vsel vm0, $0xFFFFFFFF, v3  }
.LBB2_3:
0x1e: {  	p0 =	sne.s32 s21, $0x7CC0;
	v13 =	vadd.s32 s18, v13;
	v14, _, _ =	vpop (xrf0)  }
0x1f: {  	v13 =	vadd.s32 v14, v13;
	(v2sf) =	vpush v14, $0xF  }
0x20: {  	v14 =	vld [tilespmem:s20+$0x0];
	v13 =	vnsel vm0, $0x1F60, v13;
	_ =	sdelay $0x4  }
0x21: {  	v12 =	vsub.s32 v12, v0;
	[tilespmem:v13+s12+$0x0] =	vst.idx.msk $0xffff, v14  }
0x22: {  	s20 =	sshra.s32 s19, $0x2;
	s19 =	smov.u32 s21;
	[tilespmem:v13+s13+$0x0] =	vst.idx.msk $0xffff, v12  }
0x23: {  	v12 =	vld [tilespmem:s20+$0x1F80];
	_ =	sdelay $0x4  }
0x24: {  	vm0 =	vge.s32 v12, v0;
	vm1 =	vlt.s32 v12, v1  }
0x25: {  	vm0 =	vmand vm0, vm1  }
0x26: {  	v13 =	vsel vm0, $0x1, v3;
	s22 =	spop (v2sf)  }
0x27: {  	(xrf0) =	vadd.scan.msk.s32 $0xffff, v13;
	s18 =	sadd.s32 s18, s22  }
.Ltmp0:
0x28: {  	(pc) =	sbr.rel @p0 .LBB2_3-.Ltmp0, $2  }
0x29: {  	_ =	sdelay $0x2  }
0x2a: {  	s21 =	sadd.s32 $0x40, s21;
	v13 =	vsel vm0, $0xFFFFFFFF, v3  }
0x2b: {  	v13 =	vadd.s32 s18, v13;
	v14, _, _ =	vpop (xrf0)  }
0x2c: {  	v13 =	vadd.s32 v14, v13  }
0x2d: {  	v15 =	vld [tilespmem:s20+$0x0];
	v13 =	vnsel vm0, $0x1F60, v13;
	_ =	sdelay $0x4  }
0x2e: {  	v12 =	vsub.s32 v12, v0;
	[tilespmem:v13+s12+$0x0] =	vst.idx.msk $0xffff, v15  }
0x2f: {  	s19 =	sshra.s32 s19, $0x2;
	[tilespmem:v13+s13+$0x0] =	vst.idx.msk $0xffff, v12  }
0x30: {  	v12 =	vld [tilespmem:s19+$0x1F80];
	_ =	sdelay $0x4  }
0x31: {  	vm15 =	vge.s32 v12, v0;
	vm1 =	vlt.s32 v12, v1  }
0x32: {  	vm0 =	vmand vm15, vm1  }
0x33: {  	v60 =	vsel vm0, $0x1, v3  }
0x34: {  	(xrf0) =	vadd.scan.msk.s32 $0xffff, v60  }
0x35: {  	(v2sf) =	vpush v14, $0xF;
	_ =	sdelay $0x4  }
0x36: {  	v13, _, _ =	vpop (xrf0)  }
0x37: {  	(v2sf) =	vpush v13, $0xF;
	_ =	sdelay $0x8  }
0x38: {  	s22 =	spop (v2sf)  }
0x39: {  	v61 =	vsel vm0, $0xFFFFFFFF, v3;
	s23 =	sadd.s32 s18, s22  }
0x3a: {  	v14 =	vadd.s32 s23, v61  }
0x3b: {  	v13 =	vadd.s32 v13, v14  }
0x3c: {  	v62 =	vld [tilespmem:s19+$0x0];
	v13 =	vnsel vm0, $0x1F60, v13;
	_ =	sdelay $0x1  }
0x3d: {  	s24 =	spop (v2sf)  }
0x3e: {  	s18 =	sadd.s32 s23, s24  }
0x3f: {  	s25 =	sshll.u32 s17, $0x4;
	s19 =	sadd.s32 $0x7, s18  }
0x40: {  	s28 =	sadd.s32 s7, s16;
	s17 =	sadd.s32 $0x1, s17;
	v12 =	vsub.s32 v12, v0;
	[tilespmem:v13+s12+$0x0] =	vst.idx.msk $0xffff, v62;
	s21 =	sshra.s32 s19, $0x1F  }
0x41: {  	v63 =	vor.u32 s25, v2;
	[tilespmem:v13+s13+$0x0] =	vst.idx.msk $0xffff, v12;
	s22 =	sand.u32 $0x7, s19;
	p0 =	slt.s32 s19, $0x1;
	s26 =	sshrl.u32 s21, $0x1D  }
0x42: {  	[tilespmem:s18+$0x3F00] =	vst v63;
	s21 =	sshrl.u32 s28, $0x3;
	p1 =	sne.s32 s22, $0x0;
	s20 =	sadd.s32 s26, s19  }
0x43: {  	[tilespmem:s18+$0x5E80] =	vst v4;
	s29 =	sadd.s32 s3, s21;
	p0 =	por !p0, !p1;
	s19 =	simm.s32 $0x1  }
0x44: {  	[hbm4b:s29+s6] =	stream.linear.scatter [tilespmem:s12], [sflag:$0x1], $0x1F40, $0x38;
	[tilespmem:$0x7E80] =	vst v63  }
0x45: {  	s31 =	sadd.s32 s5, s21;
	p0 =	por !p0, !p0;
	_ =	swait.ge [sflag:s10], $0x1F40  }
0x46: {  	s19 =	simm.s32 @!p0 $0x0;
	p0 =	seq.s32 s17, $0x14;
	[sflag:s10] =	ssyncset.done $0x0  }
.Ltmp1:
0x47: {  	s30 =	sshrl.u32 s20, $0x3;
	[sflag:s10] =	ssyncadd.s32 $0xFFFFE0C0;
	(pc) =	sbr.rel @!p0 .LBB2_2-.Ltmp1, $4  }
0x48: {  	[hbm4b:s31+s6] =	stream.linear.scatter [tilespmem:s13], [sflag:$0x1], $0x1F40, $0x38;
	[tilespmem:$0x7E80] =	vst v63  }
0x49: {  	s18 =	ssub.s32 s30, s19;
	_ =	swait.ge [sflag:s10], $0x1F40  }
0x4a: {  	s18 =	sshll.u32 s18, $0x3;
	[sflag:s10] =	ssyncset.done $0x0  }
0x4b: {  	s16 =	sadd.s32 s16, s18;
	[sflag:s10] =	ssyncadd.s32 $0xFFFFE0C0  }
0x4c: {  	[tilespmem:$0x0] =	vst v2  }
0x4d: {  	[tilespmem:$0x1F80] =	vst v4  }
0x4e: {  	[tilespmem:$0x10] =	vst v5  }
0x4f: {  	[tilespmem:$0x1F90] =	vst v4  }
0x50: {  	[tilespmem:$0x20] =	vst v6  }
0x51: {  	[tilespmem:$0x1FA0] =	vst v4  }
0x52: {  	[tilespmem:$0x30] =	vst v7  }
0x53: {  	[tilespmem:$0x1FB0] =	vst v4  }
0x54: {  	[tilespmem:$0x40] =	vst v8  }
0x55: {  	[tilespmem:$0x1FC0] =	vst v4  }
0x56: {  	[tilespmem:$0x50] =	vst v9  }
0x57: {  	[tilespmem:$0x1FD0] =	vst v4  }
0x58: {  	[tilespmem:$0x60] =	vst v10  }
0x59: {  	[tilespmem:$0x1FE0] =	vst v4;
	s17 =	sadd.s32 s7, s16  }
0x5a: {  	[tilespmem:$0x70] =	vst v11;
	s17 =	sshrl.u32 s17, $0x3  }
0x5b: {  	[tilespmem:$0x1FF0] =	vst v4;
	s29 =	sadd.s32 $0x7F, s16;
	s18 =	sadd.s32 s3, s17  }
0x5c: {  	[hbm4b:s18+s6] =	stream.linear.scatter [tilespmem:s6], [sflag:$0x1], $0x80, $0x38;
	[tilespmem:$0x7E80] =	vst v63  }
0x5d: {  	s30 =	sshra.s32 s29, $0x1F;
	_ =	swait.ge [sflag:s10], $0x80  }
0x5e: {  	s31 =	sshrl.u32 s30, $0x19;
	[sflag:s10] =	ssyncset.done $0x0  }
0x5f: {  	s17 =	sadd.s32 s5, s17;
	s16 =	sadd.s32 s31, s29;
	[sflag:s10] =	ssyncadd.s32 $0xFFFFFF80  }
0x60: {  	[hbm4b:s17+s6] =	stream.linear.scatter [tilespmem:s11], [sflag:$0x1], $0x80, $0x38;
	[tilespmem:$0x7E80] =	vst v63  }
0x61: {  	s16 =	sshra.s32 s16, $0x7;
	_ =	swait.ge [sflag:s10], $0x80  }
0x62: {  	s15 =	sadd.s32 $0x1, s15;
	s16 =	sadd.s32 s30, s16;
	[sflag:s10] =	ssyncset.done $0x0  }
0x63: {  	p0 =	seq.s32 s15, s9;
	v12 =	vmov s16;
	[sflag:s10] =	ssyncadd.s32 $0xFFFFFF80  }
.Ltmp2:
0x64: {  	[tilespmem:$0x7E00] =	vst v12;
	(pc) =	sbr.rel @!p0 .LBB2_1-.Ltmp2, $4  }
0x65: {  	[hbm4b:s8+s6] =	stream.linear.scatter [tilespmem:s14], [sflag:$0x1], $0x10, $0x38;
	[tilespmem:$0x7E80] =	vst v63  }
0x66: {  	_ =	swait.ge [sflag:s10], $0x10  }
0x67: {  	[sflag:s10] =	ssyncset.done $0x0  }
0x68: {  	[sflag:s10] =	ssyncadd.s32 $0xFFFFFFF0  }
0x69: {  	_ =	sfence.sel $0x180000  }
0x6a: {  	[bflag:$0x0] =	sbarrier.arrive $0xFFFF  }
0x6b: {  	p0 =	sne.s32 s1, $0x0;
	_ =	strace $0x90000047  }
0x6c: {  	s0 =	sadd.s32 @!p0 $0x100000, s4;
	[bflag:$0x2] =	sbarrier.arrive $0xFFFF  }
0x6d: {  	[sflag:s0] =	ssyncadd.tile.s32 @!p0 $0x1;
	_ =	shalt  }
.Lfunc_end2:
_tile_overlayer_lowered:
.L_overlay_start_2:
0x6e: {  	(tag) =	ssettag $0x2  }
0x6f: {  	s0 =	rddreg [dreg:$0x0];
	s2 =	stileid.u32  }
0x70: {  	s1 =	rddreg [dreg:$0x1];
	p0 =	sne.s32 s2, $0x0  }
0x71: {  	s3 =	rddreg [dreg:$0x2];
	[bflag:$0x3] =	sbarrier.arrive $0xFFFF;
	s2 =	simm.s32 @!p0 $0x1C01  }
0x72: {  	[timem:s3], [sflag:s2] =	dma.local @!p0 [hbm:s0], s1  }
0x73: {  	s0 =	simm.s32 @!p0 $0x1  }
0x74: {  	_ =	swait.ge @!p0 [sflag:s0], s1  }
0x75: {  	s1 =	ssub.s32 @!p0 $0x0, s1;
	[sflag:s0] =	ssyncset.done @!p0 $0x0  }
0x76: {  	[sflag:s0] =	ssyncadd.s32 @!p0 s1  }
0x77: {  	[bflag:$0x3] =	sbarrier.arrive $0xFFFF  }
0x78: {  	_ =	shalt  }

</sc_bundles>
